<compile_context>
chip_gen: v7x
topology: tpu7x:2x2x1
jax: 0.10.2.dev20260603
libtpu: 0.0.44.dev20260713+nightly
codegen_flags: <defaults>
</compile_context>

<pallas_src>
import math

import jax
import jax.numpy as jnp
from jax.experimental import pallas as pl
from jax.experimental.pallas import tpu as pltpu
from jax.experimental.pallas import tpu_sc as plsc

EMB_DIM = 128
SCALE = math.sqrt(EMB_DIM)

_NUM_SC_CORES = 2
_NUM_SC_SUBCORES = 16

_WINDOW = 128


def _scale_table(w):
    rows = w.shape[0]
    block_rows = 10000

    def body(w_ref, o_ref):
        o_ref[...] = w_ref[...] * SCALE

    return pl.pallas_call(
        body,
        grid=(rows // block_rows,),
        in_specs=[pl.BlockSpec((block_rows, EMB_DIM), lambda i: (i, 0))],
        out_specs=pl.BlockSpec((block_rows, EMB_DIM), lambda i: (i, 0)),
        out_shape=jax.ShapeDtypeStruct((rows, EMB_DIM), w.dtype),
        compiler_params=pltpu.CompilerParams(
            dimension_semantics=("parallel",)
        ),
    )(w)


def _sc_gather(table, flat_idx, num_indices):
    num_workers = _NUM_SC_CORES * _NUM_SC_SUBCORES
    idx_per_tile = num_indices // num_workers
    windows_per_tile = idx_per_tile // _WINDOW
    ngrp = 2
    grp = 2
    groups_per_tile = windows_per_tile // grp
    assert windows_per_tile % (ngrp * grp) == 0
    mesh = plsc.VectorSubcoreMesh(
        core_axis_name="core", subcore_axis_name="subcore"
    )

    @pl.kernel(
        out_type=jax.ShapeDtypeStruct((num_indices, EMB_DIM), table.dtype),
        mesh=mesh,
        scratch_types=[
            pltpu.VMEM((idx_per_tile,), jnp.int32),
            pltpu.VMEM((ngrp, grp * _WINDOW, EMB_DIM), jnp.float32),
        ]
        + [pltpu.SemaphoreType.DMA] * (2 * ngrp),
    )
    def kernel(table_hbm, idx_hbm, out_hbm, idx_v, rows_v, *sems):
        sem_g = sems[:ngrp]
        sem_s = sems[ngrp:]
        wid = (
            jax.lax.axis_index("subcore") * _NUM_SC_CORES
            + jax.lax.axis_index("core")
        )
        base = wid * idx_per_tile
        pltpu.sync_copy(idx_hbm.at[pl.ds(base, idx_per_tile)], idx_v)

        def gather_group(g, b):
            for k in range(grp):
                pltpu.async_copy(
                    table_hbm.at[
                        idx_v.at[pl.ds((g * grp + k) * _WINDOW, _WINDOW)]
                    ],
                    rows_v.at[b, pl.ds(k * _WINDOW, _WINDOW)],
                    sem_g[b],
                )

        def gather_wait(b):
            for k in range(grp):
                pltpu.make_async_copy(
                    table_hbm.at[idx_v.at[pl.ds(0, _WINDOW)]],
                    rows_v.at[b, pl.ds(0, _WINDOW)],
                    sem_g[b],
                ).wait()

        def store_group(g, b):
            pltpu.async_copy(
                rows_v.at[b],
                out_hbm.at[pl.ds(base + g * grp * _WINDOW, grp * _WINDOW)],
                sem_s[b],
            )

        def store_wait(b):
            pltpu.make_async_copy(
                rows_v.at[b],
                out_hbm.at[pl.ds(base, grp * _WINDOW)],
                sem_s[b],
            ).wait()

        gather_group(0, 0)
        for g in range(1, ngrp):
            gather_group(g, g)
            gather_wait(g - 1)
            store_group(g - 1, g - 1)

        @pl.loop(ngrp, groups_per_tile, step=ngrp)
        def _(g0):
            for j in range(ngrp):
                g = g0 + j
                gb = (j - 1) % ngrp
                store_wait(j)
                gather_group(g, j)
                gather_wait(gb)
                store_group(g - 1, gb)

        last = groups_per_tile - 1
        lb = last % ngrp
        gather_wait(lb)
        store_group(last, lb)
        for b in range(ngrp):
            store_wait(b)

    return kernel(table, flat_idx.reshape(num_indices))


def kernel(tokens, embedding_weight):
    b, l = tokens.shape
    num_indices = b * l
    flat_idx = tokens.T.reshape(1, num_indices).astype(jnp.int32)
    scaled = _scale_table(embedding_weight)
    out = _sc_gather(scaled, flat_idx, num_indices)
    return out.reshape(l, b, EMB_DIM)

# --- scband reference (transcript-rebuilt; emitter-appended) ---
"""Pipeline reference for scband-midi-token-embedding-60490319397124 (READ-ONLY COPY).

The authoritative reference and input builder live on the scoring server;
editing this copy changes nothing except your own understanding.
"""

import jax, jax.numpy as jnp
import numpy as np
import math

VOCAB = 100000
EMB = 128
B = 4096
L = 200

def setup_inputs(seed: int = 0) -> dict:
    key = jax.random.key(seed)
    k1, k2 = jax.random.split(key)
    tokens = jax.random.randint(k1, (B, L), 0, VOCAB, dtype=jnp.int64 if jax.config.jax_enable_x64 else jnp.int32)
    embedding_weight = jax.random.normal(k2, (VOCAB, EMB), dtype=jnp.float32)
    return {"tokens": tokens, "embedding_weight": embedding_weight}

def reference(tokens, embedding_weight):
    # torch.permute(tokens, (1, 0))
    t = jnp.transpose(tokens, (1, 0))
    # embedding lookup, scaled by sqrt(emb_size)
    x = jnp.take(embedding_weight, t, axis=0) * math.sqrt(EMB)
    return x

if __name__ == "__main__":
    import jax
    _d = setup_inputs()
    print(jax.jit(kernel)(*tuple(_d.values())))

</pallas_src>

<mosaic_0001>
#map = affine_map<(d0, d1) -> (0, 0)>
#map1 = affine_map<(d0, d1) -> (0)>
module attributes {stable_mosaic.version = 14 : i64} {
  func.func @kernel(%arg0: i32, %arg1: i32, %arg2: memref<100000x128xf32, #tpu.memory_space<hbm>>, %arg3: memref<819200xi32, #tpu.memory_space<hbm>>, %arg4: memref<819200x128xf32, #tpu.memory_space<hbm>>, %arg5: memref<25600xi32, #tpu.memory_space<vmem>>, %arg6: memref<2x256x128xf32, #tpu.memory_space<vmem>>, %arg7: memref<!tpu.dma_semaphore, #tpu.memory_space<semaphore_mem>>, %arg8: memref<!tpu.dma_semaphore, #tpu.memory_space<semaphore_mem>>, %arg9: memref<!tpu.dma_semaphore, #tpu.memory_space<semaphore_mem>>, %arg10: memref<!tpu.dma_semaphore, #tpu.memory_space<semaphore_mem>>) attributes {dimension_semantics = [#tpu.dimension_semantics<core_parallel>, #tpu.dimension_semantics<subcore_parallel>], iteration_bounds = array<i64: 2, 16>, scalar_prefetch = 0 : i64, scratch_operands = 6 : i64, tpu.core_type = #tpu.core_type<sc_vector_subcore>, window_params = [{transform_indices = #map}, {transform_indices = #map1}, {transform_indices = #map}]} {
    %mul3A = arith.constant 2 : i32
    %mul3A_0 = arith.muli %arg1, %mul3A : i32
    %add3A = arith.addi %mul3A_0, %arg0 : i32
    %mul3A_1 = arith.constant 25600 : i32
    %mul3A_2 = arith.muli %add3A, %mul3A_1 : i32
    "tpu.region"() ({
      %run_scoped3A = tpu.sem_alloc : memref<!tpu.dma_semaphore, #tpu.memory_space<semaphore_mem>>
      %dma_start3A_141 = tpu.memref_slice %arg3[%mul3A_2] : memref<819200xi32, #tpu.memory_space<hbm>> -> memref<25600xi32, #tpu.memory_space<hbm>>
      %dma_start3A_142 = tpu.memref_slice %arg3[%mul3A_2] : memref<819200xi32, #tpu.memory_space<hbm>> -> memref<25600xi32, #tpu.memory_space<hbm>>
      tpu.enqueue_dma source(%dma_start3A_142 : memref<25600xi32, #tpu.memory_space<hbm>>) target(%arg5 : memref<25600xi32, #tpu.memory_space<vmem>>) target_semaphore(%run_scoped3A : memref<!tpu.dma_semaphore, #tpu.memory_space<semaphore_mem>>)
      %dma_wait3A_143 = tpu.memref_slice %arg3[%mul3A_2] : memref<819200xi32, #tpu.memory_space<hbm>> -> memref<25600xi32, #tpu.memory_space<hbm>>
      %dma_wait3A_144 = tpu.memref_slice %arg3[%mul3A_2] : memref<819200xi32, #tpu.memory_space<hbm>> -> memref<25600xi32, #tpu.memory_space<hbm>>
      tpu.wait_dma2 semaphore(%run_scoped3A : memref<!tpu.dma_semaphore, #tpu.memory_space<semaphore_mem>>) src(%dma_wait3A_144 : memref<25600xi32, #tpu.memory_space<hbm>>) dst(%arg5 : memref<25600xi32, #tpu.memory_space<vmem>>)
      tpu.yield
    }) : () -> ()
    %dma_start3A = arith.constant 0 : i32
    %dma_start3A_3 = arith.constant 0 : i32
    %dma_start3A_4 = arith.constant 0 : i32
    %dma_start3A_5 = tpu.memref_slice %arg6[%dma_start3A, %dma_start3A_3, %dma_start3A_4] : memref<2x256x128xf32, #tpu.memory_space<vmem>> -> memref<1x128x128xf32, #tpu.memory_space<vmem>>
    %dma_start3A_6 = tpu.memref_squeeze %dma_start3A_5 : memref<1x128x128xf32, #tpu.memory_space<vmem>> -> memref<128x128xf32, #tpu.memory_space<vmem>>
    %dma_start3A_7 = arith.constant 0 : i32
    %dma_start3A_8 = tpu.memref_slice %arg5[%dma_start3A_7] : memref<25600xi32, #tpu.memory_space<vmem>> -> memref<128xi32, #tpu.memory_space<vmem>>
    %dma_start3A_9 = arith.constant 0 : i32
    %dma_start3A_10 = arith.constant 0 : i32
    %dma_start3A_11 = tpu.memref_slice %arg2[%dma_start3A_9, %dma_start3A_10] : memref<100000x128xf32, #tpu.memory_space<hbm>> -> memref<100000x128xf32, #tpu.memory_space<hbm>>
    tpu.enqueue_indirect_dma source(%dma_start3A_11 : memref<100000x128xf32, #tpu.memory_space<hbm>>) target(%dma_start3A_6 : memref<128x128xf32, #tpu.memory_space<vmem>>) offsets(%dma_start3A_8 : memref<128xi32, #tpu.memory_space<vmem>>) semaphore(%arg7 : memref<!tpu.dma_semaphore, #tpu.memory_space<semaphore_mem>>)
    %dma_start3A_12 = arith.constant 0 : i32
    %dma_start3A_13 = arith.constant 128 : i32
    %dma_start3A_14 = arith.constant 0 : i32
    %dma_start3A_15 = tpu.memref_slice %arg6[%dma_start3A_12, %dma_start3A_13, %dma_start3A_14] : memref<2x256x128xf32, #tpu.memory_space<vmem>> -> memref<1x128x128xf32, #tpu.memory_space<vmem>>
    %dma_start3A_16 = tpu.memref_squeeze %dma_start3A_15 : memref<1x128x128xf32, #tpu.memory_space<vmem>> -> memref<128x128xf32, #tpu.memory_space<vmem>>
    %dma_start3A_17 = arith.constant 128 : i32
    %dma_start3A_18 = tpu.memref_slice %arg5[%dma_start3A_17] : memref<25600xi32, #tpu.memory_space<vmem>> -> memref<128xi32, #tpu.memory_space<vmem>>
    %dma_start3A_19 = arith.constant 0 : i32
    %dma_start3A_20 = arith.constant 0 : i32
    %dma_start3A_21 = tpu.memref_slice %arg2[%dma_start3A_19, %dma_start3A_20] : memref<100000x128xf32, #tpu.memory_space<hbm>> -> memref<100000x128xf32, #tpu.memory_space<hbm>>
    tpu.enqueue_indirect_dma source(%dma_start3A_21 : memref<100000x128xf32, #tpu.memory_space<hbm>>) target(%dma_start3A_16 : memref<128x128xf32, #tpu.memory_space<vmem>>) offsets(%dma_start3A_18 : memref<128xi32, #tpu.memory_space<vmem>>) semaphore(%arg7 : memref<!tpu.dma_semaphore, #tpu.memory_space<semaphore_mem>>)
    %dma_start3A_22 = arith.constant 1 : i32
    %dma_start3A_23 = arith.constant 0 : i32
    %dma_start3A_24 = arith.constant 0 : i32
    %dma_start3A_25 = tpu.memref_slice %arg6[%dma_start3A_22, %dma_start3A_23, %dma_start3A_24] : memref<2x256x128xf32, #tpu.memory_space<vmem>> -> memref<1x128x128xf32, #tpu.memory_space<vmem>>
    %dma_start3A_26 = tpu.memref_squeeze %dma_start3A_25 : memref<1x128x128xf32, #tpu.memory_space<vmem>> -> memref<128x128xf32, #tpu.memory_space<vmem>>
    %dma_start3A_27 = arith.constant 256 : i32
    %dma_start3A_28 = tpu.memref_slice %arg5[%dma_start3A_27] : memref<25600xi32, #tpu.memory_space<vmem>> -> memref<128xi32, #tpu.memory_space<vmem>>
    %dma_start3A_29 = arith.constant 0 : i32
    %dma_start3A_30 = arith.constant 0 : i32
    %dma_start3A_31 = tpu.memref_slice %arg2[%dma_start3A_29, %dma_start3A_30] : memref<100000x128xf32, #tpu.memory_space<hbm>> -> memref<100000x128xf32, #tpu.memory_space<hbm>>
    tpu.enqueue_indirect_dma source(%dma_start3A_31 : memref<100000x128xf32, #tpu.memory_space<hbm>>) target(%dma_start3A_26 : memref<128x128xf32, #tpu.memory_space<vmem>>) offsets(%dma_start3A_28 : memref<128xi32, #tpu.memory_space<vmem>>) semaphore(%arg8 : memref<!tpu.dma_semaphore, #tpu.memory_space<semaphore_mem>>)
    %dma_start3A_32 = arith.constant 1 : i32
    %dma_start3A_33 = arith.constant 128 : i32
    %dma_start3A_34 = arith.constant 0 : i32
    %dma_start3A_35 = tpu.memref_slice %arg6[%dma_start3A_32, %dma_start3A_33, %dma_start3A_34] : memref<2x256x128xf32, #tpu.memory_space<vmem>> -> memref<1x128x128xf32, #tpu.memory_space<vmem>>
    %dma_start3A_36 = tpu.memref_squeeze %dma_start3A_35 : memref<1x128x128xf32, #tpu.memory_space<vmem>> -> memref<128x128xf32, #tpu.memory_space<vmem>>
    %dma_start3A_37 = arith.constant 384 : i32
    %dma_start3A_38 = tpu.memref_slice %arg5[%dma_start3A_37] : memref<25600xi32, #tpu.memory_space<vmem>> -> memref<128xi32, #tpu.memory_space<vmem>>
    %dma_start3A_39 = arith.constant 0 : i32
    %dma_start3A_40 = arith.constant 0 : i32
    %dma_start3A_41 = tpu.memref_slice %arg2[%dma_start3A_39, %dma_start3A_40] : memref<100000x128xf32, #tpu.memory_space<hbm>> -> memref<100000x128xf32, #tpu.memory_space<hbm>>
    tpu.enqueue_indirect_dma source(%dma_start3A_41 : memref<100000x128xf32, #tpu.memory_space<hbm>>) target(%dma_start3A_36 : memref<128x128xf32, #tpu.memory_space<vmem>>) offsets(%dma_start3A_38 : memref<128xi32, #tpu.memory_space<vmem>>) semaphore(%arg8 : memref<!tpu.dma_semaphore, #tpu.memory_space<semaphore_mem>>)
    %dma_wait3A = arith.constant 0 : i32
    %dma_wait3A_42 = arith.constant 0 : i32
    %dma_wait3A_43 = arith.constant 0 : i32
    %dma_wait3A_44 = tpu.memref_slice %arg6[%dma_wait3A, %dma_wait3A_42, %dma_wait3A_43] : memref<2x256x128xf32, #tpu.memory_space<vmem>> -> memref<1x128x128xf32, #tpu.memory_space<vmem>>
    %dma_wait3A_45 = tpu.memref_squeeze %dma_wait3A_44 : memref<1x128x128xf32, #tpu.memory_space<vmem>> -> memref<128x128xf32, #tpu.memory_space<vmem>>
    %dma_wait3A_46 = arith.constant 0 : i32
    %dma_wait3A_47 = tpu.memref_slice %arg5[%dma_wait3A_46] : memref<25600xi32, #tpu.memory_space<vmem>> -> memref<128xi32, #tpu.memory_space<vmem>>
    %dma_wait3A_48 = arith.constant 0 : i32
    %dma_wait3A_49 = arith.constant 0 : i32
    %dma_wait3A_50 = tpu.memref_slice %arg2[%dma_wait3A_48, %dma_wait3A_49] : memref<100000x128xf32, #tpu.memory_space<hbm>> -> memref<100000x128xf32, #tpu.memory_space<hbm>>
    tpu.wait_indirect_dma semaphore(%arg7 : memref<!tpu.dma_semaphore, #tpu.memory_space<semaphore_mem>>) src(%dma_wait3A_50 : memref<100000x128xf32, #tpu.memory_space<hbm>>) dst(%dma_wait3A_45 : memref<128x128xf32, #tpu.memory_space<vmem>>)
    %dma_wait3A_51 = arith.constant 0 : i32
    %dma_wait3A_52 = arith.constant 0 : i32
    %dma_wait3A_53 = arith.constant 0 : i32
    %dma_wait3A_54 = tpu.memref_slice %arg6[%dma_wait3A_51, %dma_wait3A_52, %dma_wait3A_53] : memref<2x256x128xf32, #tpu.memory_space<vmem>> -> memref<1x128x128xf32, #tpu.memory_space<vmem>>
    %dma_wait3A_55 = tpu.memref_squeeze %dma_wait3A_54 : memref<1x128x128xf32, #tpu.memory_space<vmem>> -> memref<128x128xf32, #tpu.memory_space<vmem>>
    %dma_wait3A_56 = arith.constant 0 : i32
    %dma_wait3A_57 = tpu.memref_slice %arg5[%dma_wait3A_56] : memref<25600xi32, #tpu.memory_space<vmem>> -> memref<128xi32, #tpu.memory_space<vmem>>
    %dma_wait3A_58 = arith.constant 0 : i32
    %dma_wait3A_59 = arith.constant 0 : i32
    %dma_wait3A_60 = tpu.memref_slice %arg2[%dma_wait3A_58, %dma_wait3A_59] : memref<100000x128xf32, #tpu.memory_space<hbm>> -> memref<100000x128xf32, #tpu.memory_space<hbm>>
    tpu.wait_indirect_dma semaphore(%arg7 : memref<!tpu.dma_semaphore, #tpu.memory_space<semaphore_mem>>) src(%dma_wait3A_60 : memref<100000x128xf32, #tpu.memory_space<hbm>>) dst(%dma_wait3A_55 : memref<128x128xf32, #tpu.memory_space<vmem>>)
    %add3A_61 = arith.constant 0 : i32
    %add3A_62 = arith.addi %mul3A_2, %add3A_61 : i32
    %dma_start3A_63 = arith.constant 0 : i32
    %dma_start3A_64 = arith.constant 0 : i32
    %dma_start3A_65 = arith.constant 0 : i32
    %dma_start3A_66 = tpu.memref_slice %arg6[%dma_start3A_63, %dma_start3A_64, %dma_start3A_65] : memref<2x256x128xf32, #tpu.memory_space<vmem>> -> memref<1x256x128xf32, #tpu.memory_space<vmem>>
    %dma_start3A_67 = tpu.memref_squeeze %dma_start3A_66 : memref<1x256x128xf32, #tpu.memory_space<vmem>> -> memref<256x128xf32, #tpu.memory_space<vmem>>
    %dma_start3A_68 = arith.constant 0 : i32
    %dma_start3A_69 = tpu.memref_slice %arg4[%add3A_62, %dma_start3A_68] : memref<819200x128xf32, #tpu.memory_space<hbm>> -> memref<256x128xf32, #tpu.memory_space<hbm>>
    %dma_start3A_70 = arith.constant 0 : i32
    %dma_start3A_71 = tpu.memref_slice %arg4[%add3A_62, %dma_start3A_70] : memref<819200x128xf32, #tpu.memory_space<hbm>> -> memref<256x128xf32, #tpu.memory_space<hbm>>
    %dma_start3A_72 = arith.constant 0 : i32
    %dma_start3A_73 = arith.constant 0 : i32
    %dma_start3A_74 = tpu.memref_slice %arg6[%dma_start3A_63, %dma_start3A_72, %dma_start3A_73] : memref<2x256x128xf32, #tpu.memory_space<vmem>> -> memref<1x256x128xf32, #tpu.memory_space<vmem>>
    %dma_start3A_75 = tpu.memref_squeeze %dma_start3A_74 : memref<1x256x128xf32, #tpu.memory_space<vmem>> -> memref<256x128xf32, #tpu.memory_space<vmem>>
    tpu.enqueue_dma source(%dma_start3A_75 : memref<256x128xf32, #tpu.memory_space<vmem>>) target(%dma_start3A_71 : memref<256x128xf32, #tpu.memory_space<hbm>>) target_semaphore(%arg9 : memref<!tpu.dma_semaphore, #tpu.memory_space<semaphore_mem>>)
    %scan3A = arith.constant 0 : i32
    %scan3A_76 = arith.constant 49 : i32
    %scan3A_77 = arith.addi %scan3A, %scan3A_76 : i32
    %scan3A_78 = arith.constant 1 : i32
    scf.for %scan3A_141 = %scan3A to %scan3A_77 step %scan3A_78  : i32 {
      %mul3A_142 = arith.constant 2 : i32
      %mul3A_143 = arith.muli %scan3A_141, %mul3A_142 : i32
      %add3A_144 = arith.constant 2 : i32
      %add3A_145 = arith.addi %add3A_144, %mul3A_143 : i32
      %add3A_146 = arith.constant 0 : i32
      %add3A_147 = arith.addi %add3A_145, %add3A_146 : i32
      %dma_wait3A_148 = arith.constant 0 : i32
      %dma_wait3A_149 = arith.constant 0 : i32
      %dma_wait3A_150 = arith.constant 0 : i32
      %dma_wait3A_151 = tpu.memref_slice %arg6[%dma_wait3A_148, %dma_wait3A_149, %dma_wait3A_150] : memref<2x256x128xf32, #tpu.memory_space<vmem>> -> memref<1x256x128xf32, #tpu.memory_space<vmem>>
      %dma_wait3A_152 = tpu.memref_squeeze %dma_wait3A_151 : memref<1x256x128xf32, #tpu.memory_space<vmem>> -> memref<256x128xf32, #tpu.memory_space<vmem>>
      %dma_wait3A_153 = arith.constant 0 : i32
      %dma_wait3A_154 = tpu.memref_slice %arg4[%mul3A_2, %dma_wait3A_153] : memref<819200x128xf32, #tpu.memory_space<hbm>> -> memref<256x128xf32, #tpu.memory_space<hbm>>
      %dma_wait3A_155 = arith.constant 0 : i32
      %dma_wait3A_156 = tpu.memref_slice %arg4[%mul3A_2, %dma_wait3A_155] : memref<819200x128xf32, #tpu.memory_space<hbm>> -> memref<256x128xf32, #tpu.memory_space<hbm>>
      %dma_wait3A_157 = arith.constant 0 : i32
      %dma_wait3A_158 = arith.constant 0 : i32
      %dma_wait3A_159 = tpu.memref_slice %arg6[%dma_wait3A_148, %dma_wait3A_157, %dma_wait3A_158] : memref<2x256x128xf32, #tpu.memory_space<vmem>> -> memref<1x256x128xf32, #tpu.memory_space<vmem>>
      %dma_wait3A_160 = tpu.memref_squeeze %dma_wait3A_159 : memref<1x256x128xf32, #tpu.memory_space<vmem>> -> memref<256x128xf32, #tpu.memory_space<vmem>>
      tpu.wait_dma2 semaphore(%arg9 : memref<!tpu.dma_semaphore, #tpu.memory_space<semaphore_mem>>) src(%dma_wait3A_160 : memref<256x128xf32, #tpu.memory_space<vmem>>) dst(%dma_wait3A_156 : memref<256x128xf32, #tpu.memory_space<hbm>>)
      %mul3A_161 = arith.constant 2 : i32
      %mul3A_162 = arith.muli %add3A_147, %mul3A_161 : i32
      %add3A_163 = arith.constant 0 : i32
      %add3A_164 = arith.addi %mul3A_162, %add3A_163 : i32
      %mul3A_165 = arith.constant 128 : i32
      %mul3A_166 = arith.muli %add3A_164, %mul3A_165 : i32
      %dma_start3A_167 = arith.constant 0 : i32
      %dma_start3A_168 = arith.constant 0 : i32
      %dma_start3A_169 = arith.constant 0 : i32
      %dma_start3A_170 = tpu.memref_slice %arg6[%dma_start3A_167, %dma_start3A_168, %dma_start3A_169] : memref<2x256x128xf32, #tpu.memory_space<vmem>> -> memref<1x128x128xf32, #tpu.memory_space<vmem>>
      %dma_start3A_171 = tpu.memref_squeeze %dma_start3A_170 : memref<1x128x128xf32, #tpu.memory_space<vmem>> -> memref<128x128xf32, #tpu.memory_space<vmem>>
      %dma_start3A_172 = tpu.memref_slice %arg5[%mul3A_166] : memref<25600xi32, #tpu.memory_space<vmem>> -> memref<128xi32, #tpu.memory_space<vmem>>
      %dma_start3A_173 = arith.constant 0 : i32
      %dma_start3A_174 = arith.constant 0 : i32
      %dma_start3A_175 = tpu.memref_slice %arg2[%dma_start3A_173, %dma_start3A_174] : memref<100000x128xf32, #tpu.memory_space<hbm>> -> memref<100000x128xf32, #tpu.memory_space<hbm>>
      tpu.enqueue_indirect_dma source(%dma_start3A_175 : memref<100000x128xf32, #tpu.memory_space<hbm>>) target(%dma_start3A_171 : memref<128x128xf32, #tpu.memory_space<vmem>>) offsets(%dma_start3A_172 : memref<128xi32, #tpu.memory_space<vmem>>) semaphore(%arg7 : memref<!tpu.dma_semaphore, #tpu.memory_space<semaphore_mem>>)
      %mul3A_176 = arith.constant 2 : i32
      %mul3A_177 = arith.muli %add3A_147, %mul3A_176 : i32
      %add3A_178 = arith.constant 1 : i32
      %add3A_179 = arith.addi %mul3A_177, %add3A_178 : i32
      %mul3A_180 = arith.constant 128 : i32
      %mul3A_181 = arith.muli %add3A_179, %mul3A_180 : i32
      %dma_start3A_182 = arith.constant 0 : i32
      %dma_start3A_183 = arith.constant 128 : i32
      %dma_start3A_184 = arith.constant 0 : i32
      %dma_start3A_185 = tpu.memref_slice %arg6[%dma_start3A_182, %dma_start3A_183, %dma_start3A_184] : memref<2x256x128xf32, #tpu.memory_space<vmem>> -> memref<1x128x128xf32, #tpu.memory_space<vmem>>
      %dma_start3A_186 = tpu.memref_squeeze %dma_start3A_185 : memref<1x128x128xf32, #tpu.memory_space<vmem>> -> memref<128x128xf32, #tpu.memory_space<vmem>>
      %dma_start3A_187 = tpu.memref_slice %arg5[%mul3A_181] : memref<25600xi32, #tpu.memory_space<vmem>> -> memref<128xi32, #tpu.memory_space<vmem>>
      %dma_start3A_188 = arith.constant 0 : i32
      %dma_start3A_189 = arith.constant 0 : i32
      %dma_start3A_190 = tpu.memref_slice %arg2[%dma_start3A_188, %dma_start3A_189] : memref<100000x128xf32, #tpu.memory_space<hbm>> -> memref<100000x128xf32, #tpu.memory_space<hbm>>
      tpu.enqueue_indirect_dma source(%dma_start3A_190 : memref<100000x128xf32, #tpu.memory_space<hbm>>) target(%dma_start3A_186 : memref<128x128xf32, #tpu.memory_space<vmem>>) offsets(%dma_start3A_187 : memref<128xi32, #tpu.memory_space<vmem>>) semaphore(%arg7 : memref<!tpu.dma_semaphore, #tpu.memory_space<semaphore_mem>>)
      %dma_wait3A_191 = arith.constant 1 : i32
      %dma_wait3A_192 = arith.constant 0 : i32
      %dma_wait3A_193 = arith.constant 0 : i32
      %dma_wait3A_194 = tpu.memref_slice %arg6[%dma_wait3A_191, %dma_wait3A_192, %dma_wait3A_193] : memref<2x256x128xf32, #tpu.memory_space<vmem>> -> memref<1x128x128xf32, #tpu.memory_space<vmem>>
      %dma_wait3A_195 = tpu.memref_squeeze %dma_wait3A_194 : memref<1x128x128xf32, #tpu.memory_space<vmem>> -> memref<128x128xf32, #tpu.memory_space<vmem>>
      %dma_wait3A_196 = arith.constant 0 : i32
      %dma_wait3A_197 = tpu.memref_slice %arg5[%dma_wait3A_196] : memref<25600xi32, #tpu.memory_space<vmem>> -> memref<128xi32, #tpu.memory_space<vmem>>
      %dma_wait3A_198 = arith.constant 0 : i32
      %dma_wait3A_199 = arith.constant 0 : i32
      %dma_wait3A_200 = tpu.memref_slice %arg2[%dma_wait3A_198, %dma_wait3A_199] : memref<100000x128xf32, #tpu.memory_space<hbm>> -> memref<100000x128xf32, #tpu.memory_space<hbm>>
      tpu.wait_indirect_dma semaphore(%arg8 : memref<!tpu.dma_semaphore, #tpu.memory_space<semaphore_mem>>) src(%dma_wait3A_200 : memref<100000x128xf32, #tpu.memory_space<hbm>>) dst(%dma_wait3A_195 : memref<128x128xf32, #tpu.memory_space<vmem>>)
      %dma_wait3A_201 = arith.constant 1 : i32
      %dma_wait3A_202 = arith.constant 0 : i32
      %dma_wait3A_203 = arith.constant 0 : i32
      %dma_wait3A_204 = tpu.memref_slice %arg6[%dma_wait3A_201, %dma_wait3A_202, %dma_wait3A_203] : memref<2x256x128xf32, #tpu.memory_space<vmem>> -> memref<1x128x128xf32, #tpu.memory_space<vmem>>
      %dma_wait3A_205 = tpu.memref_squeeze %dma_wait3A_204 : memref<1x128x128xf32, #tpu.memory_space<vmem>> -> memref<128x128xf32, #tpu.memory_space<vmem>>
      %dma_wait3A_206 = arith.constant 0 : i32
      %dma_wait3A_207 = tpu.memref_slice %arg5[%dma_wait3A_206] : memref<25600xi32, #tpu.memory_space<vmem>> -> memref<128xi32, #tpu.memory_space<vmem>>
      %dma_wait3A_208 = arith.constant 0 : i32
      %dma_wait3A_209 = arith.constant 0 : i32
      %dma_wait3A_210 = tpu.memref_slice %arg2[%dma_wait3A_208, %dma_wait3A_209] : memref<100000x128xf32, #tpu.memory_space<hbm>> -> memref<100000x128xf32, #tpu.memory_space<hbm>>
      tpu.wait_indirect_dma semaphore(%arg8 : memref<!tpu.dma_semaphore, #tpu.memory_space<semaphore_mem>>) src(%dma_wait3A_210 : memref<100000x128xf32, #tpu.memory_space<hbm>>) dst(%dma_wait3A_205 : memref<128x128xf32, #tpu.memory_space<vmem>>)
      %sub3A = arith.constant 1 : i32
      %sub3A_211 = arith.subi %add3A_147, %sub3A : i32
      %mul3A_212 = arith.constant 2 : i32
      %mul3A_213 = arith.muli %sub3A_211, %mul3A_212 : i32
      %mul3A_214 = arith.constant 128 : i32
      %mul3A_215 = arith.muli %mul3A_213, %mul3A_214 : i32
      %add3A_216 = arith.addi %mul3A_2, %mul3A_215 : i32
      %dma_start3A_217 = arith.constant 1 : i32
      %dma_start3A_218 = arith.constant 0 : i32
      %dma_start3A_219 = arith.constant 0 : i32
      %dma_start3A_220 = tpu.memref_slice %arg6[%dma_start3A_217, %dma_start3A_218, %dma_start3A_219] : memref<2x256x128xf32, #tpu.memory_space<vmem>> -> memref<1x256x128xf32, #tpu.memory_space<vmem>>
      %dma_start3A_221 = tpu.memref_squeeze %dma_start3A_220 : memref<1x256x128xf32, #tpu.memory_space<vmem>> -> memref<256x128xf32, #tpu.memory_space<vmem>>
      %dma_start3A_222 = arith.constant 0 : i32
      %dma_start3A_223 = tpu.memref_slice %arg4[%add3A_216, %dma_start3A_222] : memref<819200x128xf32, #tpu.memory_space<hbm>> -> memref<256x128xf32, #tpu.memory_space<hbm>>
      %dma_start3A_224 = arith.constant 0 : i32
      %dma_start3A_225 = tpu.memref_slice %arg4[%add3A_216, %dma_start3A_224] : memref<819200x128xf32, #tpu.memory_space<hbm>> -> memref<256x128xf32, #tpu.memory_space<hbm>>
      %dma_start3A_226 = arith.constant 0 : i32
      %dma_start3A_227 = arith.constant 0 : i32
      %dma_start3A_228 = tpu.memref_slice %arg6[%dma_start3A_217, %dma_start3A_226, %dma_start3A_227] : memref<2x256x128xf32, #tpu.memory_space<vmem>> -> memref<1x256x128xf32, #tpu.memory_space<vmem>>
      %dma_start3A_229 = tpu.memref_squeeze %dma_start3A_228 : memref<1x256x128xf32, #tpu.memory_space<vmem>> -> memref<256x128xf32, #tpu.memory_space<vmem>>
      tpu.enqueue_dma source(%dma_start3A_229 : memref<256x128xf32, #tpu.memory_space<vmem>>) target(%dma_start3A_225 : memref<256x128xf32, #tpu.memory_space<hbm>>) target_semaphore(%arg10 : memref<!tpu.dma_semaphore, #tpu.memory_space<semaphore_mem>>)
      %add3A_230 = arith.constant 1 : i32
      %add3A_231 = arith.addi %add3A_145, %add3A_230 : i32
      %dma_wait3A_232 = arith.constant 1 : i32
      %dma_wait3A_233 = arith.constant 0 : i32
      %dma_wait3A_234 = arith.constant 0 : i32
      %dma_wait3A_235 = tpu.memref_slice %arg6[%dma_wait3A_232, %dma_wait3A_233, %dma_wait3A_234] : memref<2x256x128xf32, #tpu.memory_space<vmem>> -> memref<1x256x128xf32, #tpu.memory_space<vmem>>
      %dma_wait3A_236 = tpu.memref_squeeze %dma_wait3A_235 : memref<1x256x128xf32, #tpu.memory_space<vmem>> -> memref<256x128xf32, #tpu.memory_space<vmem>>
      %dma_wait3A_237 = arith.constant 0 : i32
      %dma_wait3A_238 = tpu.memref_slice %arg4[%mul3A_2, %dma_wait3A_237] : memref<819200x128xf32, #tpu.memory_space<hbm>> -> memref<256x128xf32, #tpu.memory_space<hbm>>
      %dma_wait3A_239 = arith.constant 0 : i32
      %dma_wait3A_240 = tpu.memref_slice %arg4[%mul3A_2, %dma_wait3A_239] : memref<819200x128xf32, #tpu.memory_space<hbm>> -> memref<256x128xf32, #tpu.memory_space<hbm>>
      %dma_wait3A_241 = arith.constant 0 : i32
      %dma_wait3A_242 = arith.constant 0 : i32
      %dma_wait3A_243 = tpu.memref_slice %arg6[%dma_wait3A_232, %dma_wait3A_241, %dma_wait3A_242] : memref<2x256x128xf32, #tpu.memory_space<vmem>> -> memref<1x256x128xf32, #tpu.memory_space<vmem>>
      %dma_wait3A_244 = tpu.memref_squeeze %dma_wait3A_243 : memref<1x256x128xf32, #tpu.memory_space<vmem>> -> memref<256x128xf32, #tpu.memory_space<vmem>>
      tpu.wait_dma2 semaphore(%arg10 : memref<!tpu.dma_semaphore, #tpu.memory_space<semaphore_mem>>) src(%dma_wait3A_244 : memref<256x128xf32, #tpu.memory_space<vmem>>) dst(%dma_wait3A_240 : memref<256x128xf32, #tpu.memory_space<hbm>>)
      %mul3A_245 = arith.constant 2 : i32
      %mul3A_246 = arith.muli %add3A_231, %mul3A_245 : i32
      %add3A_247 = arith.constant 0 : i32
      %add3A_248 = arith.addi %mul3A_246, %add3A_247 : i32
      %mul3A_249 = arith.constant 128 : i32
      %mul3A_250 = arith.muli %add3A_248, %mul3A_249 : i32
      %dma_start3A_251 = arith.constant 1 : i32
      %dma_start3A_252 = arith.constant 0 : i32
      %dma_start3A_253 = arith.constant 0 : i32
      %dma_start3A_254 = tpu.memref_slice %arg6[%dma_start3A_251, %dma_start3A_252, %dma_start3A_253] : memref<2x256x128xf32, #tpu.memory_space<vmem>> -> memref<1x128x128xf32, #tpu.memory_space<vmem>>
      %dma_start3A_255 = tpu.memref_squeeze %dma_start3A_254 : memref<1x128x128xf32, #tpu.memory_space<vmem>> -> memref<128x128xf32, #tpu.memory_space<vmem>>
      %dma_start3A_256 = tpu.memref_slice %arg5[%mul3A_250] : memref<25600xi32, #tpu.memory_space<vmem>> -> memref<128xi32, #tpu.memory_space<vmem>>
      %dma_start3A_257 = arith.constant 0 : i32
      %dma_start3A_258 = arith.constant 0 : i32
      %dma_start3A_259 = tpu.memref_slice %arg2[%dma_start3A_257, %dma_start3A_258] : memref<100000x128xf32, #tpu.memory_space<hbm>> -> memref<100000x128xf32, #tpu.memory_space<hbm>>
      tpu.enqueue_indirect_dma source(%dma_start3A_259 : memref<100000x128xf32, #tpu.memory_space<hbm>>) target(%dma_start3A_255 : memref<128x128xf32, #tpu.memory_space<vmem>>) offsets(%dma_start3A_256 : memref<128xi32, #tpu.memory_space<vmem>>) semaphore(%arg8 : memref<!tpu.dma_semaphore, #tpu.memory_space<semaphore_mem>>)
      %mul3A_260 = arith.constant 2 : i32
      %mul3A_261 = arith.muli %add3A_231, %mul3A_260 : i32
      %add3A_262 = arith.constant 1 : i32
      %add3A_263 = arith.addi %mul3A_261, %add3A_262 : i32
      %mul3A_264 = arith.constant 128 : i32
      %mul3A_265 = arith.muli %add3A_263, %mul3A_264 : i32
      %dma_start3A_266 = arith.constant 1 : i32
      %dma_start3A_267 = arith.constant 128 : i32
      %dma_start3A_268 = arith.constant 0 : i32
      %dma_start3A_269 = tpu.memref_slice %arg6[%dma_start3A_266, %dma_start3A_267, %dma_start3A_268] : memref<2x256x128xf32, #tpu.memory_space<vmem>> -> memref<1x128x128xf32, #tpu.memory_space<vmem>>
      %dma_start3A_270 = tpu.memref_squeeze %dma_start3A_269 : memref<1x128x128xf32, #tpu.memory_space<vmem>> -> memref<128x128xf32, #tpu.memory_space<vmem>>
      %dma_start3A_271 = tpu.memref_slice %arg5[%mul3A_265] : memref<25600xi32, #tpu.memory_space<vmem>> -> memref<128xi32, #tpu.memory_space<vmem>>
      %dma_start3A_272 = arith.constant 0 : i32
      %dma_start3A_273 = arith.constant 0 : i32
      %dma_start3A_274 = tpu.memref_slice %arg2[%dma_start3A_272, %dma_start3A_273] : memref<100000x128xf32, #tpu.memory_space<hbm>> -> memref<100000x128xf32, #tpu.memory_space<hbm>>
      tpu.enqueue_indirect_dma source(%dma_start3A_274 : memref<100000x128xf32, #tpu.memory_space<hbm>>) target(%dma_start3A_270 : memref<128x128xf32, #tpu.memory_space<vmem>>) offsets(%dma_start3A_271 : memref<128xi32, #tpu.memory_space<vmem>>) semaphore(%arg8 : memref<!tpu.dma_semaphore, #tpu.memory_space<semaphore_mem>>)
      %dma_wait3A_275 = arith.constant 0 : i32
      %dma_wait3A_276 = arith.constant 0 : i32
      %dma_wait3A_277 = arith.constant 0 : i32
      %dma_wait3A_278 = tpu.memref_slice %arg6[%dma_wait3A_275, %dma_wait3A_276, %dma_wait3A_277] : memref<2x256x128xf32, #tpu.memory_space<vmem>> -> memref<1x128x128xf32, #tpu.memory_space<vmem>>
      %dma_wait3A_279 = tpu.memref_squeeze %dma_wait3A_278 : memref<1x128x128xf32, #tpu.memory_space<vmem>> -> memref<128x128xf32, #tpu.memory_space<vmem>>
      %dma_wait3A_280 = arith.constant 0 : i32
      %dma_wait3A_281 = tpu.memref_slice %arg5[%dma_wait3A_280] : memref<25600xi32, #tpu.memory_space<vmem>> -> memref<128xi32, #tpu.memory_space<vmem>>
      %dma_wait3A_282 = arith.constant 0 : i32
      %dma_wait3A_283 = arith.constant 0 : i32
      %dma_wait3A_284 = tpu.memref_slice %arg2[%dma_wait3A_282, %dma_wait3A_283] : memref<100000x128xf32, #tpu.memory_space<hbm>> -> memref<100000x128xf32, #tpu.memory_space<hbm>>
      tpu.wait_indirect_dma semaphore(%arg7 : memref<!tpu.dma_semaphore, #tpu.memory_space<semaphore_mem>>) src(%dma_wait3A_284 : memref<100000x128xf32, #tpu.memory_space<hbm>>) dst(%dma_wait3A_279 : memref<128x128xf32, #tpu.memory_space<vmem>>)
      %dma_wait3A_285 = arith.constant 0 : i32
      %dma_wait3A_286 = arith.constant 0 : i32
      %dma_wait3A_287 = arith.constant 0 : i32
      %dma_wait3A_288 = tpu.memref_slice %arg6[%dma_wait3A_285, %dma_wait3A_286, %dma_wait3A_287] : memref<2x256x128xf32, #tpu.memory_space<vmem>> -> memref<1x128x128xf32, #tpu.memory_space<vmem>>
      %dma_wait3A_289 = tpu.memref_squeeze %dma_wait3A_288 : memref<1x128x128xf32, #tpu.memory_space<vmem>> -> memref<128x128xf32, #tpu.memory_space<vmem>>
      %dma_wait3A_290 = arith.constant 0 : i32
      %dma_wait3A_291 = tpu.memref_slice %arg5[%dma_wait3A_290] : memref<25600xi32, #tpu.memory_space<vmem>> -> memref<128xi32, #tpu.memory_space<vmem>>
      %dma_wait3A_292 = arith.constant 0 : i32
      %dma_wait3A_293 = arith.constant 0 : i32
      %dma_wait3A_294 = tpu.memref_slice %arg2[%dma_wait3A_292, %dma_wait3A_293] : memref<100000x128xf32, #tpu.memory_space<hbm>> -> memref<100000x128xf32, #tpu.memory_space<hbm>>
      tpu.wait_indirect_dma semaphore(%arg7 : memref<!tpu.dma_semaphore, #tpu.memory_space<semaphore_mem>>) src(%dma_wait3A_294 : memref<100000x128xf32, #tpu.memory_space<hbm>>) dst(%dma_wait3A_289 : memref<128x128xf32, #tpu.memory_space<vmem>>)
      %sub3A_295 = arith.constant 1 : i32
      %sub3A_296 = arith.subi %add3A_231, %sub3A_295 : i32
      %mul3A_297 = arith.constant 2 : i32
      %mul3A_298 = arith.muli %sub3A_296, %mul3A_297 : i32
      %mul3A_299 = arith.constant 128 : i32
      %mul3A_300 = arith.muli %mul3A_298, %mul3A_299 : i32
      %add3A_301 = arith.addi %mul3A_2, %mul3A_300 : i32
      %dma_start3A_302 = arith.constant 0 : i32
      %dma_start3A_303 = arith.constant 0 : i32
      %dma_start3A_304 = arith.constant 0 : i32
      %dma_start3A_305 = tpu.memref_slice %arg6[%dma_start3A_302, %dma_start3A_303, %dma_start3A_304] : memref<2x256x128xf32, #tpu.memory_space<vmem>> -> memref<1x256x128xf32, #tpu.memory_space<vmem>>
      %dma_start3A_306 = tpu.memref_squeeze %dma_start3A_305 : memref<1x256x128xf32, #tpu.memory_space<vmem>> -> memref<256x128xf32, #tpu.memory_space<vmem>>
      %dma_start3A_307 = arith.constant 0 : i32
      %dma_start3A_308 = tpu.memref_slice %arg4[%add3A_301, %dma_start3A_307] : memref<819200x128xf32, #tpu.memory_space<hbm>> -> memref<256x128xf32, #tpu.memory_space<hbm>>
      %dma_start3A_309 = arith.constant 0 : i32
      %dma_start3A_310 = tpu.memref_slice %arg4[%add3A_301, %dma_start3A_309] : memref<819200x128xf32, #tpu.memory_space<hbm>> -> memref<256x128xf32, #tpu.memory_space<hbm>>
      %dma_start3A_311 = arith.constant 0 : i32
      %dma_start3A_312 = arith.constant 0 : i32
      %dma_start3A_313 = tpu.memref_slice %arg6[%dma_start3A_302, %dma_start3A_311, %dma_start3A_312] : memref<2x256x128xf32, #tpu.memory_space<vmem>> -> memref<1x256x128xf32, #tpu.memory_space<vmem>>
      %dma_start3A_314 = tpu.memref_squeeze %dma_start3A_313 : memref<1x256x128xf32, #tpu.memory_space<vmem>> -> memref<256x128xf32, #tpu.memory_space<vmem>>
      tpu.enqueue_dma source(%dma_start3A_314 : memref<256x128xf32, #tpu.memory_space<vmem>>) target(%dma_start3A_310 : memref<256x128xf32, #tpu.memory_space<hbm>>) target_semaphore(%arg9 : memref<!tpu.dma_semaphore, #tpu.memory_space<semaphore_mem>>)
    }
    %scan3A_79 = arith.constant 49 : i32
    %dma_wait3A_80 = arith.constant 1 : i32
    %dma_wait3A_81 = arith.constant 0 : i32
    %dma_wait3A_82 = arith.constant 0 : i32
    %dma_wait3A_83 = tpu.memref_slice %arg6[%dma_wait3A_80, %dma_wait3A_81, %dma_wait3A_82] : memref<2x256x128xf32, #tpu.memory_space<vmem>> -> memref<1x128x128xf32, #tpu.memory_space<vmem>>
    %dma_wait3A_84 = tpu.memref_squeeze %dma_wait3A_83 : memref<1x128x128xf32, #tpu.memory_space<vmem>> -> memref<128x128xf32, #tpu.memory_space<vmem>>
    %dma_wait3A_85 = arith.constant 0 : i32
    %dma_wait3A_86 = tpu.memref_slice %arg5[%dma_wait3A_85] : memref<25600xi32, #tpu.memory_space<vmem>> -> memref<128xi32, #tpu.memory_space<vmem>>
    %dma_wait3A_87 = arith.constant 0 : i32
    %dma_wait3A_88 = arith.constant 0 : i32
    %dma_wait3A_89 = tpu.memref_slice %arg2[%dma_wait3A_87, %dma_wait3A_88] : memref<100000x128xf32, #tpu.memory_space<hbm>> -> memref<100000x128xf32, #tpu.memory_space<hbm>>
    tpu.wait_indirect_dma semaphore(%arg8 : memref<!tpu.dma_semaphore, #tpu.memory_space<semaphore_mem>>) src(%dma_wait3A_89 : memref<100000x128xf32, #tpu.memory_space<hbm>>) dst(%dma_wait3A_84 : memref<128x128xf32, #tpu.memory_space<vmem>>)
    %dma_wait3A_90 = arith.constant 1 : i32
    %dma_wait3A_91 = arith.constant 0 : i32
    %dma_wait3A_92 = arith.constant 0 : i32
    %dma_wait3A_93 = tpu.memref_slice %arg6[%dma_wait3A_90, %dma_wait3A_91, %dma_wait3A_92] : memref<2x256x128xf32, #tpu.memory_space<vmem>> -> memref<1x128x128xf32, #tpu.memory_space<vmem>>
    %dma_wait3A_94 = tpu.memref_squeeze %dma_wait3A_93 : memref<1x128x128xf32, #tpu.memory_space<vmem>> -> memref<128x128xf32, #tpu.memory_space<vmem>>
    %dma_wait3A_95 = arith.constant 0 : i32
    %dma_wait3A_96 = tpu.memref_slice %arg5[%dma_wait3A_95] : memref<25600xi32, #tpu.memory_space<vmem>> -> memref<128xi32, #tpu.memory_space<vmem>>
    %dma_wait3A_97 = arith.constant 0 : i32
    %dma_wait3A_98 = arith.constant 0 : i32
    %dma_wait3A_99 = tpu.memref_slice %arg2[%dma_wait3A_97, %dma_wait3A_98] : memref<100000x128xf32, #tpu.memory_space<hbm>> -> memref<100000x128xf32, #tpu.memory_space<hbm>>
    tpu.wait_indirect_dma semaphore(%arg8 : memref<!tpu.dma_semaphore, #tpu.memory_space<semaphore_mem>>) src(%dma_wait3A_99 : memref<100000x128xf32, #tpu.memory_space<hbm>>) dst(%dma_wait3A_94 : memref<128x128xf32, #tpu.memory_space<vmem>>)
    %add3A_100 = arith.constant 25344 : i32
    %add3A_101 = arith.addi %mul3A_2, %add3A_100 : i32
    %dma_start3A_102 = arith.constant 1 : i32
    %dma_start3A_103 = arith.constant 0 : i32
    %dma_start3A_104 = arith.constant 0 : i32
    %dma_start3A_105 = tpu.memref_slice %arg6[%dma_start3A_102, %dma_start3A_103, %dma_start3A_104] : memref<2x256x128xf32, #tpu.memory_space<vmem>> -> memref<1x256x128xf32, #tpu.memory_space<vmem>>
    %dma_start3A_106 = tpu.memref_squeeze %dma_start3A_105 : memref<1x256x128xf32, #tpu.memory_space<vmem>> -> memref<256x128xf32, #tpu.memory_space<vmem>>
    %dma_start3A_107 = arith.constant 0 : i32
    %dma_start3A_108 = tpu.memref_slice %arg4[%add3A_101, %dma_start3A_107] : memref<819200x128xf32, #tpu.memory_space<hbm>> -> memref<256x128xf32, #tpu.memory_space<hbm>>
    %dma_start3A_109 = arith.constant 0 : i32
    %dma_start3A_110 = tpu.memref_slice %arg4[%add3A_101, %dma_start3A_109] : memref<819200x128xf32, #tpu.memory_space<hbm>> -> memref<256x128xf32, #tpu.memory_space<hbm>>
    %dma_start3A_111 = arith.constant 0 : i32
    %dma_start3A_112 = arith.constant 0 : i32
    %dma_start3A_113 = tpu.memref_slice %arg6[%dma_start3A_102, %dma_start3A_111, %dma_start3A_112] : memref<2x256x128xf32, #tpu.memory_space<vmem>> -> memref<1x256x128xf32, #tpu.memory_space<vmem>>
    %dma_start3A_114 = tpu.memref_squeeze %dma_start3A_113 : memref<1x256x128xf32, #tpu.memory_space<vmem>> -> memref<256x128xf32, #tpu.memory_space<vmem>>
    tpu.enqueue_dma source(%dma_start3A_114 : memref<256x128xf32, #tpu.memory_space<vmem>>) target(%dma_start3A_110 : memref<256x128xf32, #tpu.memory_space<hbm>>) target_semaphore(%arg10 : memref<!tpu.dma_semaphore, #tpu.memory_space<semaphore_mem>>)
    %dma_wait3A_115 = arith.constant 0 : i32
    %dma_wait3A_116 = arith.constant 0 : i32
    %dma_wait3A_117 = arith.constant 0 : i32
    %dma_wait3A_118 = tpu.memref_slice %arg6[%dma_wait3A_115, %dma_wait3A_116, %dma_wait3A_117] : memref<2x256x128xf32, #tpu.memory_space<vmem>> -> memref<1x256x128xf32, #tpu.memory_space<vmem>>
    %dma_wait3A_119 = tpu.memref_squeeze %dma_wait3A_118 : memref<1x256x128xf32, #tpu.memory_space<vmem>> -> memref<256x128xf32, #tpu.memory_space<vmem>>
    %dma_wait3A_120 = arith.constant 0 : i32
    %dma_wait3A_121 = tpu.memref_slice %arg4[%mul3A_2, %dma_wait3A_120] : memref<819200x128xf32, #tpu.memory_space<hbm>> -> memref<256x128xf32, #tpu.memory_space<hbm>>
    %dma_wait3A_122 = arith.constant 0 : i32
    %dma_wait3A_123 = tpu.memref_slice %arg4[%mul3A_2, %dma_wait3A_122] : memref<819200x128xf32, #tpu.memory_space<hbm>> -> memref<256x128xf32, #tpu.memory_space<hbm>>
    %dma_wait3A_124 = arith.constant 0 : i32
    %dma_wait3A_125 = arith.constant 0 : i32
    %dma_wait3A_126 = tpu.memref_slice %arg6[%dma_wait3A_115, %dma_wait3A_124, %dma_wait3A_125] : memref<2x256x128xf32, #tpu.memory_space<vmem>> -> memref<1x256x128xf32, #tpu.memory_space<vmem>>
    %dma_wait3A_127 = tpu.memref_squeeze %dma_wait3A_126 : memref<1x256x128xf32, #tpu.memory_space<vmem>> -> memref<256x128xf32, #tpu.memory_space<vmem>>
    tpu.wait_dma2 semaphore(%arg9 : memref<!tpu.dma_semaphore, #tpu.memory_space<semaphore_mem>>) src(%dma_wait3A_127 : memref<256x128xf32, #tpu.memory_space<vmem>>) dst(%dma_wait3A_123 : memref<256x128xf32, #tpu.memory_space<hbm>>)
    %dma_wait3A_128 = arith.constant 1 : i32
    %dma_wait3A_129 = arith.constant 0 : i32
    %dma_wait3A_130 = arith.constant 0 : i32
    %dma_wait3A_131 = tpu.memref_slice %arg6[%dma_wait3A_128, %dma_wait3A_129, %dma_wait3A_130] : memref<2x256x128xf32, #tpu.memory_space<vmem>> -> memref<1x256x128xf32, #tpu.memory_space<vmem>>
    %dma_wait3A_132 = tpu.memref_squeeze %dma_wait3A_131 : memref<1x256x128xf32, #tpu.memory_space<vmem>> -> memref<256x128xf32, #tpu.memory_space<vmem>>
    %dma_wait3A_133 = arith.constant 0 : i32
    %dma_wait3A_134 = tpu.memref_slice %arg4[%mul3A_2, %dma_wait3A_133] : memref<819200x128xf32, #tpu.memory_space<hbm>> -> memref<256x128xf32, #tpu.memory_space<hbm>>
    %dma_wait3A_135 = arith.constant 0 : i32
    %dma_wait3A_136 = tpu.memref_slice %arg4[%mul3A_2, %dma_wait3A_135] : memref<819200x128xf32, #tpu.memory_space<hbm>> -> memref<256x128xf32, #tpu.memory_space<hbm>>
    %dma_wait3A_137 = arith.constant 0 : i32
    %dma_wait3A_138 = arith.constant 0 : i32
    %dma_wait3A_139 = tpu.memref_slice %arg6[%dma_wait3A_128, %dma_wait3A_137, %dma_wait3A_138] : memref<2x256x128xf32, #tpu.memory_space<vmem>> -> memref<1x256x128xf32, #tpu.memory_space<vmem>>
    %dma_wait3A_140 = tpu.memref_squeeze %dma_wait3A_139 : memref<1x256x128xf32, #tpu.memory_space<vmem>> -> memref<256x128xf32, #tpu.memory_space<vmem>>
    tpu.wait_dma2 semaphore(%arg10 : memref<!tpu.dma_semaphore, #tpu.memory_space<semaphore_mem>>) src(%dma_wait3A_140 : memref<256x128xf32, #tpu.memory_space<vmem>>) dst(%dma_wait3A_136 : memref<256x128xf32, #tpu.memory_space<hbm>>)
    return
  }
}

module attributes {stable_mosaic.version = 14 : i64} {
  func.func @body(%arg0: i32, %arg1: memref<10000x128xf32, #tpu.memory_space<vmem>>, %arg2: memref<10000x128xf32, #tpu.memory_space<vmem>>) attributes {dimension_semantics = [#tpu.dimension_semantics<parallel>], iteration_bounds = array<i64: 10>, scalar_prefetch = 0 : i64, scratch_operands = 0 : i64, tpu.core_type = #tpu.core_type<tc>, window_params = [{transform_indices = @transform_0, window_bounds = array<i64: 10000, 128>}, {transform_indices = @transform_1, window_bounds = array<i64: 10000, 128>}]} {
    %get3A = arith.constant 0 : index
    %get3A_0 = arith.constant 0 : index
    %get3A_1 = vector.load %arg1[%get3A, %get3A_0] : memref<10000x128xf32, #tpu.memory_space<vmem>>, vector<10000x128xf32>
    %mul3A = arith.constant 11.3137083 : f32
    %mul3A_2 = vector.broadcast %mul3A : f32 to vector<10000x128xf32>
    %mul3A_3 = arith.mulf %get3A_1, %mul3A_2 : vector<10000x128xf32>
    %swap3A = arith.constant 0 : index
    %swap3A_4 = arith.constant 0 : index
    %swap3A_5 = vector.load %arg2[%swap3A, %swap3A_4] : memref<10000x128xf32, #tpu.memory_space<vmem>>, vector<10000x128xf32>
    tpu.vector_store %arg2[%swap3A, %swap3A_4], %mul3A_3 {strides = array<i32>} : memref<10000x128xf32, #tpu.memory_space<vmem>>, vector<10000x128xf32>,
    return
  }
  func.func @transform_0(%arg0: i32) -> (i32, i32) {
    %c0_i32 = arith.constant 0 : i32
    %c0_i32_0 = arith.constant 0 : i32
    return %arg0, %c0_i32 : i32, i32
  }
  func.func @transform_1(%arg0: i32) -> (i32, i32) {
    %c0_i32 = arith.constant 0 : i32
    %c0_i32_0 = arith.constant 0 : i32
    return %arg0, %c0_i32 : i32, i32
  }
}

</mosaic_0001>

<sc_bundles>
// kernel: kernel.4.cloned.1.call-start
scs
__scs_entry_jumppad:
0x0: {  	(pc) =	sbr.rel $0x88, $3  }
0x1: {  	(tag) =	ssettag $0x0;
	lr =	simm.s32 $0x1  }
0x2: {  	[smem:$0x3F9F] =	sst lr;
	_ =	strace $0xD0000000  }
0x3: {  	_ = 	snop  }
0x4: {  	_ = 	snop  }
0x5: {  	_ = 	snop  }
0x6: {  	_ = 	snop  }
0x7: {  	_ = 	snop  }
__scs_overlays_trampoline_lowered:
0x8: {  	[smem:$0x3FAE] =	sst s0  }
0x9: {  	[smem:$0x3FAF] =	sst s1  }
0xa: {  	[smem:$0x3FB0] =	sst s2  }
0xb: {  	[smem:$0x3FB1] =	sst s3  }
0xc: {  	[smem:$0x3FB2] =	sst s4  }
0xd: {  	[smem:$0x3FB3] =	sst s5  }
0xe: {  	[smem:$0x3FB4] =	sst s6  }
0xf: {  	[smem:$0x3FB5] =	sst s7  }
0x10: {  	[smem:$0x3FB6] =	sst s8  }
0x11: {  	[smem:$0x3FB7] =	sst s9;
	s0 =	simm.s32 @!p0 $0x0  }
0x12: {  	s1 =	sld [smem:$0x3F9D];
	s0 =	simm.s32 @p0 $0x1  }
0x13: {  	[smem:$0x3FB8] =	sst s0;
	s0 =	simm.s32 @!p1 $0x0  }
0x14: {  	s2 =	sld [smem:$0x3F9C];
	s0 =	simm.s32 @p1 $0x1  }
0x15: {  	[smem:$0x3FB9] =	sst s0;
	s0 =	simm.s32 @!p2 $0x0  }
0x16: {  	s3 =	sld [smem:$0x3FDB];
	s0 =	simm.s32 @p2 $0x1  }
0x17: {  	s4 =	simm.s32 $0x1BF5;
	[smem:$0x3FBB] =	sst s0  }
0x18: {  	s0 =	sld [smem:$0x3F9E];
	_ =	swait.ge [sflag:s4], $0x0  }
0x19: {  	s7 =	sld [smem:$0x3F9F]  }
0x1a: {  	s8 =	sadd.s32 $0xFFFFE003, lr  }
0x1b: {  	s9 =	sadd.s32 $0xFFFFFEF7, lr;
	s5 =	simm.s32 $0xFFFFFFFF;
	p2 =	slt.u32 s8, $0xFFFFF086  }
0x1c: {  	p1 =	slt.u32 s9, $0xF7A;
	s5 =	simm.s32 @!p2 $0x0  }
0x1d: {  	s5 =	simm.s32 @p1 $0x1;
	p0 =	seq.s32 s7, s2  }
0x1e: {  	s7 =	smul.u32 @!p0 $0xF7A, s2;
	p2 =	seq.s32 @!p0 s5, $0x0  }
0x1f: {  	s9 =	smul.u32 $0xF7A, s1;
	s8 =	simm.s32 @!p0 $0x1BF5;
	p2 =	por !p2, p0  }
0x20: {  	[sflag:s8] =	ssyncset.s32 @!p0 $0xFFFFF086;
	s6 =	sadd.s32 @!p0 s3, s7;
	s7 =	simm.s32 @!p0 $0x108  }
0x21: {  	s3 =	sadd.s32 s3, s9;
	s6 =	sadd.s32 @!p0 $0x88, s6;
	s7 =	simm.s32 @p2 $0x1082  }
0x22: {  	[simem:s7], [sflag:s8] =	dma.local @!p0 [hbm:s6], $0xF7A  }
0x23: {  	s9 =	sor.u32 $0xD0000000, s2;
	s6 =	simm.s32 $0x108;
	_ =	swait.ge @!p0 [sflag:s8], $0x0  }
0x24: {  	s3 =	sadd.s32 $0x88, s3;
	s6 =	simm.s32 @!p1 $0x1082;
	[sflag:s4] =	ssyncset.s32 $0xFFFFF086  }
0x25: {  	[simem:s6], [sflag:s4] =	dma.local [hbm:s3], $0xF7A  }
0x26: {  	[smem:$0x3F9F] =	sst s1;
	(tag) =	ssettag s2;
	_ =	strace s9  }
0x27: {  	s1 =	sld [smem:$0x3FAF]  }
0x28: {  	s2 =	sld [smem:$0x3FB0]  }
0x29: {  	s4 =	sld [smem:$0x3FB2]  }
0x2a: {  	p0 =	seq.s32 s5, $0x0;
	s5 =	sld [smem:$0x3FB3]  }
0x2b: {  	s6 =	sld [smem:$0x3FB4]  }
0x2c: {  	s7 =	sld [smem:$0x3FB5]  }
0x2d: {  	s3 =	simm.s32 $0x108;
	s8 =	sld [smem:$0x3FB6]  }
0x2e: {  	s3 =	simm.s32 @!p0 $0x1082;
	s9 =	sld [smem:$0x3FB7]  }
0x2f: {  	lr =	sadd.s32 s0, s3;
	s0 =	sld [smem:$0x3FAE]  }
0x30: {  	s3 =	sld [smem:$0x3FB1]  }
0x31: {  	[smem:$0x3FBA] =	sst s10  }
0x32: {  	s10 =	sld [smem:$0x3FB8];
	_ =	sdelay $0x3  }
0x33: {  	p0 =	seq.s32 s10, $0x1;
	s10 =	sld [smem:$0x3FBA];
	_ =	sdelay $0x3  }
0x34: {  	[smem:$0x3FBA] =	sst s10  }
0x35: {  	s10 =	sld [smem:$0x3FB9];
	_ =	sdelay $0x3  }
0x36: {  	p1 =	seq.s32 s10, $0x1;
	s10 =	sld [smem:$0x3FBA];
	_ =	sdelay $0x3  }
0x37: {  	[smem:$0x3FBA] =	sst s10  }
0x38: {  	s10 =	sld [smem:$0x3FBB]  }
0x39: {  	_ = 	snop;
	(pc) =	sbr.ind lr, $3  }
0x3a: {  	_ = 	snop  }
0x3b: {  	_ = 	snop  }
0x3c: {  	p2 =	seq.s32 s10, $0x1;
	s10 =	sld [smem:$0x3FBA]  }
0x3d: {  	_ =	shalt  }
0x3e: {  	_ =	shalt  }
0x3f: {  	_ =	shalt  }
0x40: {  	_ =	shalt  }
0x41: {  	_ =	shalt  }
0x42: {  	_ =	shalt  }
0x43: {  	_ =	shalt  }
0x44: {  	_ =	shalt  }
0x45: {  	_ =	shalt  }
0x46: {  	_ =	shalt  }
0x47: {  	_ =	shalt  }
0x48: {  	_ =	shalt  }
0x49: {  	_ =	shalt  }
0x4a: {  	_ =	shalt  }
0x4b: {  	_ =	shalt  }
0x4c: {  	_ =	shalt  }
0x4d: {  	_ =	shalt  }
0x4e: {  	_ =	shalt  }
0x4f: {  	_ =	shalt  }
0x50: {  	_ =	shalt  }
0x51: {  	_ =	shalt  }
0x52: {  	_ =	shalt  }
0x53: {  	_ =	shalt  }
0x54: {  	_ =	shalt  }
0x55: {  	_ =	shalt  }
0x56: {  	_ =	shalt  }
0x57: {  	_ =	shalt  }
0x58: {  	_ =	shalt  }
0x59: {  	_ =	shalt  }
0x5a: {  	_ =	shalt  }
0x5b: {  	_ =	shalt  }
0x5c: {  	_ =	shalt  }
0x5d: {  	_ =	shalt  }
0x5e: {  	_ =	shalt  }
0x5f: {  	_ =	shalt  }
0x60: {  	_ =	shalt  }
0x61: {  	_ =	shalt  }
0x62: {  	_ =	shalt  }
0x63: {  	_ =	shalt  }
0x64: {  	_ =	shalt  }
0x65: {  	_ =	shalt  }
0x66: {  	_ =	shalt  }
0x67: {  	_ =	shalt  }
0x68: {  	_ =	shalt  }
0x69: {  	_ =	shalt  }
0x6a: {  	_ =	shalt  }
0x6b: {  	_ =	shalt  }
0x6c: {  	_ =	shalt  }
0x6d: {  	_ =	shalt  }
0x6e: {  	_ =	shalt  }
0x6f: {  	_ =	shalt  }
0x70: {  	_ =	shalt  }
0x71: {  	_ =	shalt  }
0x72: {  	_ =	shalt  }
0x73: {  	_ =	shalt  }
0x74: {  	_ =	shalt  }
0x75: {  	_ =	shalt  }
0x76: {  	_ =	shalt  }
0x77: {  	_ =	shalt  }
0x78: {  	_ =	shalt  }
0x79: {  	_ =	shalt  }
0x7a: {  	_ =	shalt  }
0x7b: {  	_ =	shalt  }
0x7c: {  	_ =	shalt  }
0x7d: {  	_ =	shalt  }
0x7e: {  	_ =	shalt  }
0x7f: {  	_ =	shalt  }
0x80: {  	_ =	shalt  }
0x81: {  	_ =	shalt  }
0x82: {  	_ =	shalt  }
0x83: {  	_ =	shalt  }
0x84: {  	_ =	shalt  }
0x85: {  	_ =	shalt  }
0x86: {  	_ =	shalt  }
0x87: {  	_ =	shalt  }
.Lfunc_end0:
.L_simem_size_0:
called_computation_lowered:
.L_overlay_start_0:
0x88: {  	s2 =	sld [smem:$0x3FD9]  }
0x89: {  	s3 =	sld [smem:$0x3FFE];
	_ =	sdelay $0x1  }
0x8a: {  	s1 =	srdreg.scid  }
0x8b: {  	s0 =	sand.u32 $0x1, s1  }
0x8c: {  	s17 =	sshll.u32 s0, $0xA;
	s2 =	sadd.s32 s3, s2  }
0x8d: {  	s2 =	sadd.s32 s2, s17  }
0x8e: {  	[smem:$0x3FC6] =	sst s2  }
0x8f: {  	_ = 	snop  }
0x90: {  	s2 =	sld [smem:$0x3FD0];
	(tm) =	ssettm $0x1  }
0x91: {  	s18 =	sld [smem:$0x3FFB];
	_ =	sdelay $0x3  }
0x92: {  	_ =	strace s18  }
0x93: {  	s3 =	sld [smem:$0x3FFC];
	_ =	sdelay $0x3  }
0x94: {  	_ =	strace s3  }
0x95: {  	s3 =	sld [smem:$0x3FFD];
	_ =	sdelay $0x3  }
0x96: {  	_ =	strace s3  }
0x97: {  	_ =	strace $0x8FFFFFFF  }
0x98: {  	s19 =	sld [smem:$0x3FDB];
	_ =	sdelay $0x1  }
0x99: {  	s4 =	simm.s32 $_scs_section_size  }
0x9a: {  	s5 =	simm.s32 $_size__tile_overlayer_lowered;
	s6 =	simm.s32 $_tile_overlayer_lowered  }
0x9b: {  	s22 =	simm.s32 $0x1BFF;
	s21 =	sshll.u32 s6, $0x1;
	s3 =	sadd.s32 s4, s19  }
0x9c: {  	s7 =	simm.s32 $0x0;
	s20 =	sshll.u32 s5, $0x1;
	s5 =	sadd.s32 s21, s3  }
0x9d: {  	[timem:s7], [sflag:s22] =	dma.local [hbm:s5], s20  }
0x9e: {  	_ =	swait.ge [sflag:s22], s20  }
0x9f: {  	s4 =	ssub.s32 $0x0, s20;
	[sflag:s22] =	ssyncset.done $0x0  }
0xa0: {  	[sflag:s22] =	ssyncadd.s32 s4;
	_ =	sdelay $0x1  }
0xa1: {  	s23 =	simm.s32 $0x1B8B  }
0xa2: {  	_ =	swait.ge [sflag:s23], $0x1  }
0xa3: {  	[sflag:s23] =	ssyncset.done $0x0  }
0xa4: {  	s25 =	simm.s32 $0x1B8E;
	s24 =	sld [smem:$0x3FFE];
	[sflag:s23] =	ssyncadd.s32 $0xFFFFFFFF  }
0xa5: {  	s26 =	simm.s32 $execute0_lowered;
	[smem:$0x3FD2] =	sst s25  }
0xa6: {  	s5 =	sshll.u32 s26, $0x1;
	_ =	strace $0x80000046;
	[dreg:$0x1] =	wrdreg $0xFFFFFFFF  }
0xa7: {  	s28 =	simm.s32 $_size_execute0_lowered;
	s3 =	sadd.s32 s3, s5;
	[dreg:$0x0] =	wrdreg $0x0  }
0xa8: {  	s5 =	sshll.u32 s28, $0x1;
	[dreg:$0x2] =	wrdreg s3  }
0xa9: {  	[dreg:$0x3] =	wrdreg s5  }
0xaa: {  	[dreg:$0x4] =	wrdreg $0xC0  }
0xab: {  	_ =	task [dreg:s7], $0x5FFFF  }
0xac: {  	[dreg:$0x1] =	wrdreg $0xFFFFFFFF  }
0xad: {  	[dreg:$0x0] =	wrdreg $0x60  }
0xae: {  	[dreg:$0x2] =	wrdreg s24  }
0xaf: {  	[dreg:$0x3] =	wrdreg s2  }
0xb0: {  	[dreg:$0x4] =	wrdreg $0x9  }
0xb1: {  	_ =	task.clear_ibuf [dreg:s7], $0x5FFFF;
	_ =	strace $0x90000046  }
0xb2: {  	s29 =	simm.s32 $0x9;
	_ =	strace $0x80000048  }
0xb3: {  	_ =	swait.ge [sflag:s29], $0x1  }
0xb4: {  	[sflag:s29] =	ssyncadd.s32 $0xFFFFFFFF  }
0xb5: {  	_ =	strace $0x90000048  }
0xb6: {  	_ =	sfence  }
0xb7: {  	s30 =	sld [smem:$0x0];
	_ =	sdelay $0x2  }
0xb8: {  	s31 =	sshll.u32 s1, $0xD;
	s1 =	sshrl.u32 s1, $0x2  }
0xb9: {  	s3 =	sand.u32 $0x4000, s31;
	s1 =	sadd.s32 s1, s30  }
0xba: {  	s0 =	sor.u32 s3, s0;
	s1 =	sshll.u32 s1, $0x11  }
0xbb: {  	s0 =	sor.u32 s1, s0  }
0xbc: {  	s0 =	sadd.s32 $0x8F2B, s0  }
0xbd: {  	[sflag:s0] =	ssyncadd.remote.s32 $0x1  }
0xbe: {  	_ =	sfence.sel $0xFFFF  }
0xbf: {  	[dreg:$0x0] =	wrdreg $0xFFFFFFFF;
	(pc) =	sbr.abs _section_cstart, $3  }
0xc0: {  	[dreg:$0x1] =	wrdreg $0xFFFFFFFF  }
0xc1: {  	_ =	task.clear_ibuf [dreg:s7], $0x2FFFF;
	_ =	strace $0x9FFFFFFF  }
0xc2: {  	(tm) =	ssettm $0x7FFFFFFF  }
0xc3: {  	_ =	shalt  }
tec
execute0_lowered:
.L_overlay_start_1:
0x0: {  	(tag) =	ssettag $0x1  }
0x1: {  	s4 =	rddreg [dreg:$0x0];
	s1 =	srdreg.scid  }
0x2: {  	s0 =	stileid.u32;
	s5 =	rddreg [dreg:$0x1];
	s2 =	simm.s32 $0x0  }
0x3: {  	s12 =	simm.s32 $0xA400;
	s13 =	simm.s32 $0x100;
	s14 =	simm.s32 $0xE400  }
0x4: {  	s15 =	simm.s32 $0x180;
	s16 =	simm.s32 $0x12400;
	s17 =	simm.s32 $0x1  }
0x5: {  	s18 =	simm.s32 $0x3;
	s19 =	simm.s32 $0x2;
	s20 =	simm.s32 $0x4  }
0x6: {  	s6 =	sand.u32 $0x1, s1;
	s3 =	sshll.u32 s0, $0x1;
	s11 =	smul.u32 $0xC8000, s0  }
0x7: {  	s1 =	rddreg [dreg:$0x2];
	s7 =	sor.u32 s6, s3;
	s28 =	smul.u32 $0x64000, s6  }
0x8: {  	s21 =	simm.s32 $0x0;
	[smem:$0x7FF] =	sst s2;
	s8 =	smul.u32 $0x6400, s7  }
0x9: {  	_ =	strace $0x80000047;
	s10 =	ssub.s32 $0x2, s6;
	s9 =	smul.u32 $0x64000, s7  }
0xa: {  	s3 =	sadd.s32 $0x19400, s4;
	s7 =	smul.u32 $0x320000, s7;
	s26 =	sshrl.u32 s10, $0x1  }
0xb: {  	s30 =	sadd.s32 s11, s5;
	s11 =	simm.s32 $0x6400;
	s8 =	sshrl.u32 s8, $0x3  }
0xc: {  	s31 =	sadd.s32 s28, s30;
	s7 =	sshrl.u32 s7, $0x3;
	s4 =	sadd.s32 s8, s4  }
0xd: {  	s8 =	ssub.s32 s10, s26;
	s29 =	sadd.s32 s5, s7;
	s5 =	sadd.s32 s5, s9  }
0xe: {  	s9 =	simm.s32 $0x5;
	s10 =	simm.s32 $0x80;
	s4 =	sadd.s32 $0x400, s4  }
0xf: {  	s6 =	sadd.s32 $0x63000, s29;
	s7 =	smax.u32 s8, $0x1;
	s8 =	sadd.s32 $0x1000, s31  }
.LBB2_1:
0x10: {  	[tilespmem:s2], [sflag:$0x5] =	stream.linear.gather [hbm4b:s4+s2], $0x6400, $0x38;
	[tilespmem:$0x16400] =	vst v63  }
0x11: {  	_ =	swait.ge [sflag:s9], $0x6400  }
0x12: {  	[sflag:s9] =	ssyncset.done $0x0  }
0x13: {  	[sflag:s9] =	ssyncadd.s32 $0xFFFF9C00  }
0x14: {  	[tilespmem:s11], [sflag:$0x1] =	stream.indirect.gather [hbm4b:s3+s10], $0x80, s2, s10, $0xb8;
	[tilespmem:$0x16400] =	vst v63  }
0x15: {  	_ = 	snop  }
0x16: {  	[tilespmem:s12], [sflag:$0x1] =	stream.indirect.gather [hbm4b:s3+s10], $0x80, s10, s10, $0xb8;
	[tilespmem:$0x16400] =	vst v63  }
0x17: {  	_ = 	snop  }
0x18: {  	[tilespmem:s14], [sflag:$0x2] =	stream.indirect.gather [hbm4b:s3+s10], $0x80, s13, s10, $0xb8;
	[tilespmem:$0x16400] =	vst v63  }
0x19: {  	_ = 	snop  }
0x1a: {  	[tilespmem:s16], [sflag:$0x2] =	stream.indirect.gather [hbm4b:s3+s10], $0x80, s15, s10, $0xb8;
	[tilespmem:$0x16400] =	vst v63  }
0x1b: {  	_ =	swait.ge [sflag:s17], $0x4000  }
0x1c: {  	[sflag:s17] =	ssyncset.done $0x0  }
0x1d: {  	[sflag:s17] =	ssyncadd.s32 $0xFFFFC000  }
0x1e: {  	_ =	swait.ge [sflag:s17], $0x4000  }
0x1f: {  	[sflag:s17] =	ssyncset.done $0x0  }
0x20: {  	[sflag:s17] =	ssyncadd.s32 $0xFFFFC000  }
0x21: {  	[hbm4b:s5+s2] =	stream.linear.scatter [tilespmem:s11], [sflag:$0x3], $0x8000, $0x38;
	[tilespmem:$0x16400] =	vst v63  }
0x22: {  	_ =	swait.ge [sflag:s18], $0x8000  }
0x23: {  	[sflag:s18] =	ssyncset.done $0x0  }
0x24: {  	s22 =	simm.s32 $0x200;
	[sflag:s18] =	ssyncadd.s32 $0xFFFF8000  }
0x25: {  	[tilespmem:s11], [sflag:$0x1] =	stream.indirect.gather [hbm4b:s3+s10], $0x80, s22, s10, $0xb8;
	[tilespmem:$0x16400] =	vst v63  }
0x26: {  	s29 =	simm.s32 $0x280  }
0x27: {  	[tilespmem:s12], [sflag:$0x1] =	stream.indirect.gather [hbm4b:s3+s10], $0x80, s29, s10, $0xb8;
	[tilespmem:$0x16400] =	vst v63  }
0x28: {  	_ =	swait.ge [sflag:s19], $0x4000  }
0x29: {  	[sflag:s19] =	ssyncset.done $0x0  }
0x2a: {  	[sflag:s19] =	ssyncadd.s32 $0xFFFFC000  }
0x2b: {  	_ =	swait.ge [sflag:s19], $0x4000  }
0x2c: {  	[sflag:s19] =	ssyncset.done $0x0  }
0x2d: {  	[sflag:s19] =	ssyncadd.s32 $0xFFFFC000  }
0x2e: {  	[hbm4b:s8+s2] =	stream.linear.scatter [tilespmem:s14], [sflag:$0x4], $0x8000, $0x38;
	[tilespmem:$0x16400] =	vst v63  }
0x2f: {  	_ =	swait.ge [sflag:s20], $0x8000  }
0x30: {  	[sflag:s20] =	ssyncset.done $0x0  }
0x31: {  	s30 =	simm.s32 $0x300;
	[sflag:s20] =	ssyncadd.s32 $0xFFFF8000  }
0x32: {  	[tilespmem:s14], [sflag:$0x2] =	stream.indirect.gather [hbm4b:s3+s10], $0x80, s30, s10, $0xb8;
	[tilespmem:$0x16400] =	vst v63  }
0x33: {  	s31 =	simm.s32 $0x380  }
0x34: {  	[tilespmem:s16], [sflag:$0x2] =	stream.indirect.gather [hbm4b:s3+s10], $0x80, s31, s10, $0xb8;
	[tilespmem:$0x16400] =	vst v63  }
0x35: {  	_ =	swait.ge [sflag:s17], $0x4000  }
0x36: {  	[sflag:s17] =	ssyncset.done $0x0  }
0x37: {  	[sflag:s17] =	ssyncadd.s32 $0xFFFFC000  }
0x38: {  	_ =	swait.ge [sflag:s17], $0x4000  }
0x39: {  	s24 =	sadd.s32 $0x1000, s8;
	[sflag:s17] =	ssyncset.done $0x0  }
0x3a: {  	s23 =	sadd.s32 $0x2000, s8;
	s22 =	simm.s32 $0x800;
	[sflag:s17] =	ssyncadd.s32 $0xFFFFC000  }
.LBB2_2:
0x3b: {  	[hbm4b:s24+s2] =	stream.linear.scatter [tilespmem:s11], [sflag:$0x3], $0x8000, $0x38;
	[tilespmem:$0x16400] =	vst v63  }
0x3c: {  	s24 =	smov.u32 s22  }
0x3d: {  	p0 =	sne.s32 s22, $0x18000;
	s22 =	sadd.s32 $0x800, s22;
	_ =	swait.ge [sflag:s18], $0x8000  }
0x3e: {  	s24 =	sshra.s32 s24, $0x2;
	[sflag:s18] =	ssyncset.done $0x0  }
0x3f: {  	s25 =	sadd.s32 $0x200, s24;
	[sflag:s18] =	ssyncadd.s32 $0xFFFF8000  }
0x40: {  	[tilespmem:s11], [sflag:$0x1] =	stream.indirect.gather [hbm4b:s3+s10], $0x80, s25, s10, $0xb8;
	[tilespmem:$0x16400] =	vst v63  }
0x41: {  	s25 =	sadd.s32 $0x280, s24  }
0x42: {  	[tilespmem:s12], [sflag:$0x1] =	stream.indirect.gather [hbm4b:s3+s10], $0x80, s25, s10, $0xb8;
	[tilespmem:$0x16400] =	vst v63  }
0x43: {  	_ =	swait.ge [sflag:s19], $0x4000  }
0x44: {  	[sflag:s19] =	ssyncset.done $0x0  }
0x45: {  	[sflag:s19] =	ssyncadd.s32 $0xFFFFC000  }
0x46: {  	_ =	swait.ge [sflag:s19], $0x4000  }
0x47: {  	[sflag:s19] =	ssyncset.done $0x0  }
0x48: {  	[sflag:s19] =	ssyncadd.s32 $0xFFFFC000  }
0x49: {  	[hbm4b:s23+s2] =	stream.linear.scatter [tilespmem:s14], [sflag:$0x4], $0x8000, $0x38;
	[tilespmem:$0x16400] =	vst v63  }
0x4a: {  	_ =	swait.ge [sflag:s20], $0x8000  }
0x4b: {  	[sflag:s20] =	ssyncset.done $0x0  }
0x4c: {  	s25 =	sadd.s32 $0x300, s24;
	[sflag:s20] =	ssyncadd.s32 $0xFFFF8000  }
0x4d: {  	[tilespmem:s14], [sflag:$0x2] =	stream.indirect.gather [hbm4b:s3+s10], $0x80, s25, s10, $0xb8;
	[tilespmem:$0x16400] =	vst v63  }
0x4e: {  	s24 =	sadd.s32 $0x380, s24  }
0x4f: {  	[tilespmem:s16], [sflag:$0x2] =	stream.indirect.gather [hbm4b:s3+s10], $0x80, s24, s10, $0xb8;
	[tilespmem:$0x16400] =	vst v63  }
0x50: {  	_ =	swait.ge [sflag:s17], $0x4000  }
.Ltmp0:
0x51: {  	[sflag:s17] =	ssyncset.done $0x0;
	(pc) =	sbr.rel @p0 .LBB2_2-.Ltmp0, $4  }
0x52: {  	[sflag:s17] =	ssyncadd.s32 $0xFFFFC000  }
0x53: {  	_ =	swait.ge [sflag:s17], $0x4000  }
0x54: {  	[sflag:s17] =	ssyncset.done $0x0  }
0x55: {  	s24 =	sadd.s32 $0x1000, s23;
	s23 =	sadd.s32 $0x2000, s23;
	[sflag:s17] =	ssyncadd.s32 $0xFFFFC000  }
0x56: {  	[hbm4b:s24+s2] =	stream.linear.scatter [tilespmem:s11], [sflag:$0x3], $0x8000, $0x38;
	[tilespmem:$0x16400] =	vst v63  }
0x57: {  	_ =	swait.ge [sflag:s19], $0x4000  }
0x58: {  	[sflag:s19] =	ssyncset.done $0x0  }
0x59: {  	[sflag:s19] =	ssyncadd.s32 $0xFFFFC000  }
0x5a: {  	_ =	swait.ge [sflag:s19], $0x4000  }
0x5b: {  	[sflag:s19] =	ssyncset.done $0x0  }
0x5c: {  	s21 =	sadd.s32 $0x1, s21;
	[sflag:s19] =	ssyncadd.s32 $0xFFFFC000  }
0x5d: {  	[hbm4b:s6+s2] =	stream.linear.scatter [tilespmem:s14], [sflag:$0x4], $0x8000, $0x38;
	[tilespmem:$0x16400] =	vst v63  }
0x5e: {  	p0 =	sne.s32 s21, s7;
	_ =	swait.ge [sflag:s18], $0x8000  }
.Ltmp1:
0x5f: {  	[sflag:s18] =	ssyncset.done $0x0;
	(pc) =	sbr.rel @p0 .LBB2_1-.Ltmp1, $4  }
0x60: {  	[sflag:s18] =	ssyncadd.s32 $0xFFFF8000  }
0x61: {  	_ =	swait.ge [sflag:s20], $0x8000  }
0x62: {  	[sflag:s20] =	ssyncset.done $0x0  }
0x63: {  	[sflag:s20] =	ssyncadd.s32 $0xFFFF8000  }
0x64: {  	_ =	sfence.sel $0x180000  }
0x65: {  	[bflag:$0x0] =	sbarrier.arrive $0xFFFF  }
0x66: {  	p0 =	sne.s32 s0, $0x0;
	_ =	strace $0x90000047  }
0x67: {  	s0 =	sadd.s32 @!p0 $0x100000, s1;
	[bflag:$0x2] =	sbarrier.arrive $0xFFFF  }
0x68: {  	[sflag:s0] =	ssyncadd.tile.s32 @!p0 $0x1;
	_ =	shalt  }
.Lfunc_end2:
_tile_overlayer_lowered:
.L_overlay_start_2:
0x69: {  	(tag) =	ssettag $0x2  }
0x6a: {  	s0 =	rddreg [dreg:$0x0];
	s2 =	stileid.u32  }
0x6b: {  	s1 =	rddreg [dreg:$0x1];
	p0 =	sne.s32 s2, $0x0  }
0x6c: {  	s3 =	rddreg [dreg:$0x2];
	[bflag:$0x3] =	sbarrier.arrive $0xFFFF;
	s2 =	simm.s32 @!p0 $0x1C05  }
0x6d: {  	[timem:s3], [sflag:s2] =	dma.local @!p0 [hbm:s0], s1  }
0x6e: {  	s0 =	simm.s32 @!p0 $0x5  }
0x6f: {  	_ =	swait.ge @!p0 [sflag:s0], s1  }
0x70: {  	s1 =	ssub.s32 @!p0 $0x0, s1;
	[sflag:s0] =	ssyncset.done @!p0 $0x0  }
0x71: {  	[sflag:s0] =	ssyncadd.s32 @!p0 s1  }
0x72: {  	[bflag:$0x3] =	sbarrier.arrive $0xFFFF  }
0x73: {  	_ =	shalt  }

</sc_bundles>
